<compile_context>
chip_gen: v7x
topology: tpu7x:2x2x1
jax: 0.10.2.dev20260603
libtpu: 0.0.44.dev20260713+nightly
codegen_flags: <defaults>
</compile_context>

<pallas_src>
import functools

import jax
import jax.numpy as jnp
from jax import lax
from jax.experimental import pallas as pl
from jax.experimental.pallas import tpu as pltpu
from jax.experimental.pallas import tpu_sc as plsc

NUM_FIELDS = 26
VOCAB = 100000
EMB_DIM = 32
NUM_NUMERICAL = 13
OUTPUT_DIM = 64
BATCH = 16384
CAT_DIM = NUM_FIELDS * EMB_DIM

HALF_B = BATCH // 2


@functools.lru_cache(maxsize=None)
def _make_lookup(num_cores: int, num_subcores: int):
    mesh = plsc.VectorSubcoreMesh(core_axis_name="c", subcore_axis_name="s")

    @functools.partial(
        pl.kernel,
        mesh=mesh,
        compiler_params=pltpu.CompilerParams(needs_layout_passes=False),
        out_type=jax.ShapeDtypeStruct((CAT_DIM, BATCH), jnp.float32),
        scratch_types=[
            pltpu.VMEM((VOCAB,), jnp.float32),
            pltpu.VMEM((HALF_B,), jnp.int32),
            pltpu.VMEM((BATCH,), jnp.float32),
        ],
    )
    def lookup_kernel(table_hbm, idx_hbm, out_hbm, row_v, idx_v, out_v):
        d = lax.axis_index("s") * num_cores + lax.axis_index("c")

        def field_body(f, carry):
            pltpu.sync_copy(table_hbm.at[f, d], row_v)
            r = f * EMB_DIM + d
            for h in range(2):
                pltpu.sync_copy(idx_hbm.at[f, pl.ds(h * HALF_B, HALF_B)],
                                idx_v)

                @plsc.parallel_loop(0, HALF_B, 16, unroll=8)
                def gather_body(i):
                    vec = idx_v[pl.ds(i, 16)]
                    out_v[pl.ds(h * HALF_B + i, 16)] = plsc.load_gather(
                        row_v, [vec])
            pltpu.sync_copy(out_v, out_hbm.at[r])
            return carry

        lax.fori_loop(0, NUM_FIELDS, field_body, 0)

    return lookup_kernel


def _mlp_body(g_ref, n_ref, w1_ref, b1_ref, w2a_ref, w2n_ref, b2_ref, o_ref):
    h = jnp.maximum(
        jnp.dot(n_ref[...], w1_ref[...], preferred_element_type=jnp.float32)
        + b1_ref[...], 0.0)
    acc = lax.dot_general(
        g_ref[...], w2a_ref[...], (((0,), (0,)), ((), ())),
        preferred_element_type=jnp.float32)
    acc = acc + jnp.dot(h, w2n_ref[...], preferred_element_type=jnp.float32)
    acc = acc + b2_ref[...]
    o_ref[...] = jnp.maximum(acc, 0.0)


def _mlp(gt, numerical, w1, b1, w2a, w2n, b2):
    bm = 2048
    grid = (BATCH // bm,)
    nn = numerical.shape[1]
    return pl.pallas_call(
        _mlp_body,
        grid=grid,
        in_specs=[
            pl.BlockSpec((CAT_DIM, bm), lambda i: (0, i)),
            pl.BlockSpec((bm, nn), lambda i: (i, 0)),
            pl.BlockSpec((nn, EMB_DIM), lambda i: (0, 0)),
            pl.BlockSpec((1, EMB_DIM), lambda i: (0, 0)),
            pl.BlockSpec((CAT_DIM, OUTPUT_DIM), lambda i: (0, 0)),
            pl.BlockSpec((EMB_DIM, OUTPUT_DIM), lambda i: (0, 0)),
            pl.BlockSpec((1, OUTPUT_DIM), lambda i: (0, 0)),
        ],
        out_specs=pl.BlockSpec((bm, OUTPUT_DIM), lambda i: (i, 0)),
        out_shape=jax.ShapeDtypeStruct((BATCH, OUTPUT_DIM), jnp.float32),
    )(gt, numerical, w1, b1, w2a, w2n, b2)


def kernel(categorical_features, numerical_features, emb_tables, W1, b1, W2, b2):
    table_t = emb_tables.transpose(0, 2, 1)
    idx_t = categorical_features.astype(jnp.int32).T

    info = plsc.get_sparse_core_info()
    gt = _make_lookup(info.num_cores, info.num_subcores)(table_t, idx_t)

    num_pad = jnp.pad(numerical_features, ((0, 0), (0, 3)))
    w1_pad = jnp.pad(W1, ((0, 3), (0, 0)))

    return _mlp(gt, num_pad, w1_pad, b1.reshape(1, EMB_DIM),
                W2[:CAT_DIM], W2[CAT_DIM:], b2.reshape(1, OUTPUT_DIM))

# --- scband reference (transcript-rebuilt; emitter-appended) ---
"""Pipeline reference for scband-static-encoder-39462159515790 (READ-ONLY COPY).

The authoritative reference and input builder live on the scoring server;
editing this copy changes nothing except your own understanding.
"""

import jax, jax.numpy as jnp
import numpy as np

NUM_FIELDS = 26
VOCAB = 100000
EMB_DIM = 32
NUM_NUMERICAL = 13
OUTPUT_DIM = 64
BATCH = 16384


def setup_inputs(seed: int = 0) -> dict:
    key = jax.random.key(seed)
    k_cat, k_num, k_emb, k_w1, k_b1, k_w2, k_b2 = jax.random.split(key, 7)
    categorical_features = jax.random.randint(k_cat, (BATCH, NUM_FIELDS), 0, VOCAB, dtype=jnp.int64 if jax.config.jax_enable_x64 else jnp.int32)
    numerical_features = jax.random.normal(k_num, (BATCH, NUM_NUMERICAL), dtype=jnp.float32)
    emb_tables = jax.random.normal(k_emb, (NUM_FIELDS, VOCAB, EMB_DIM), dtype=jnp.float32) * 0.02
    W1 = jax.random.normal(k_w1, (NUM_NUMERICAL, EMB_DIM), dtype=jnp.float32) * 0.02
    b1 = jnp.zeros((EMB_DIM,), dtype=jnp.float32)
    total_input_dim = NUM_FIELDS * EMB_DIM + EMB_DIM
    W2 = jax.random.normal(k_w2, (total_input_dim, OUTPUT_DIM), dtype=jnp.float32) * 0.02
    b2 = jnp.zeros((OUTPUT_DIM,), dtype=jnp.float32)
    return {
        'categorical_features': categorical_features,
        'numerical_features': numerical_features,
        'emb_tables': emb_tables,
        'W1': W1,
        'b1': b1,
        'W2': W2,
        'b2': b2,
    }


def reference(categorical_features, numerical_features, emb_tables, W1, b1, W2, b2):
    # per-field embedding lookup (gather), then concat -- mirrors nn.ModuleList of nn.Embedding
    embedded_cat = [jnp.take(emb_tables[i], categorical_features[:, i], axis=0) for i in range(NUM_FIELDS)]
    embedded_cat = jnp.concatenate(embedded_cat, axis=-1)
    # numerical_processor: Linear + ReLU
    embedded_num = jax.nn.relu(numerical_features @ W1 + b1)
    combined = jnp.concatenate([embedded_cat, embedded_num], axis=-1)
    out = combined @ W2 + b2
    out = jax.nn.relu(out)
    return out

if __name__ == "__main__":
    import jax
    _d = setup_inputs()
    print(jax.jit(kernel)(*tuple(_d.values())))

</pallas_src>

<mosaic_0001>
#map = affine_map<(d0, d1) -> (0, 0, 0)>
#map1 = affine_map<(d0, d1) -> (0, 0)>
module attributes {stable_mosaic.version = 14 : i64} {
  func.func @lookup_kernel(%arg0: i32, %arg1: i32, %arg2: memref<26x32x100000xf32, #tpu.memory_space<hbm>>, %arg3: memref<26x16384xi32, #tpu.memory_space<hbm>>, %arg4: memref<832x16384xf32, #tpu.memory_space<hbm>>, %arg5: memref<100000xf32, #tpu.memory_space<vmem>>, %arg6: memref<8192xi32, #tpu.memory_space<vmem>>, %arg7: memref<16384xf32, #tpu.memory_space<vmem>>) attributes {dimension_semantics = [#tpu.dimension_semantics<core_parallel>, #tpu.dimension_semantics<subcore_parallel>], iteration_bounds = array<i64: 2, 16>, scalar_prefetch = 0 : i64, scratch_operands = 3 : i64, tpu.core_type = #tpu.core_type<sc_vector_subcore>, window_params = [{transform_indices = #map}, {transform_indices = #map1}, {transform_indices = #map1}]} {
    %mul3A = arith.constant 2 : i32
    %mul3A_0 = arith.muli %arg1, %mul3A : i32
    %add3A = arith.addi %mul3A_0, %arg0 : i32
    %scan3A = arith.constant 0 : i32
    %scan3A_1 = arith.constant 0 : i32
    %scan3A_2 = arith.constant 26 : i32
    %scan3A_3 = arith.addi %scan3A_1, %scan3A_2 : i32
    %scan3A_4 = arith.constant 1 : i32
    scf.for %scan3A_6 = %scan3A_1 to %scan3A_3 step %scan3A_4  : i32 {
      "tpu.region"() ({
        %run_scoped3A = tpu.sem_alloc : memref<!tpu.dma_semaphore, #tpu.memory_space<semaphore_mem>>
        %dma_start3A = arith.constant 0 : i32
        %dma_start3A_15 = tpu.memref_slice %arg2[%scan3A_6, %add3A, %dma_start3A] : memref<26x32x100000xf32, #tpu.memory_space<hbm>> -> memref<1x1x100000xf32, #tpu.memory_space<hbm>>
        %dma_start3A_16 = tpu.memref_squeeze %dma_start3A_15 : memref<1x1x100000xf32, #tpu.memory_space<hbm>> -> memref<100000xf32, #tpu.memory_space<hbm>>
        %dma_start3A_17 = arith.constant 0 : i32
        %dma_start3A_18 = tpu.memref_slice %arg2[%scan3A_6, %add3A, %dma_start3A_17] : memref<26x32x100000xf32, #tpu.memory_space<hbm>> -> memref<1x1x100000xf32, #tpu.memory_space<hbm>>
        %dma_start3A_19 = tpu.memref_squeeze %dma_start3A_18 : memref<1x1x100000xf32, #tpu.memory_space<hbm>> -> memref<100000xf32, #tpu.memory_space<hbm>>
        tpu.enqueue_dma source(%dma_start3A_19 : memref<100000xf32, #tpu.memory_space<hbm>>) target(%arg5 : memref<100000xf32, #tpu.memory_space<vmem>>) target_semaphore(%run_scoped3A : memref<!tpu.dma_semaphore, #tpu.memory_space<semaphore_mem>>)
        %dma_wait3A = arith.constant 0 : i32
        %dma_wait3A_20 = tpu.memref_slice %arg2[%scan3A_6, %add3A, %dma_wait3A] : memref<26x32x100000xf32, #tpu.memory_space<hbm>> -> memref<1x1x100000xf32, #tpu.memory_space<hbm>>
        %dma_wait3A_21 = tpu.memref_squeeze %dma_wait3A_20 : memref<1x1x100000xf32, #tpu.memory_space<hbm>> -> memref<100000xf32, #tpu.memory_space<hbm>>
        %dma_wait3A_22 = arith.constant 0 : i32
        %dma_wait3A_23 = tpu.memref_slice %arg2[%scan3A_6, %add3A, %dma_wait3A_22] : memref<26x32x100000xf32, #tpu.memory_space<hbm>> -> memref<1x1x100000xf32, #tpu.memory_space<hbm>>
        %dma_wait3A_24 = tpu.memref_squeeze %dma_wait3A_23 : memref<1x1x100000xf32, #tpu.memory_space<hbm>> -> memref<100000xf32, #tpu.memory_space<hbm>>
        tpu.wait_dma2 semaphore(%run_scoped3A : memref<!tpu.dma_semaphore, #tpu.memory_space<semaphore_mem>>) src(%dma_wait3A_24 : memref<100000xf32, #tpu.memory_space<hbm>>) dst(%arg5 : memref<100000xf32, #tpu.memory_space<vmem>>)
        tpu.yield
      }) : () -> ()
      %mul3A_7 = arith.constant 32 : i32
      %mul3A_8 = arith.muli %scan3A_6, %mul3A_7 : i32
      %add3A_9 = arith.addi %mul3A_8, %add3A : i32
      "tpu.region"() ({
        %run_scoped3A = tpu.sem_alloc : memref<!tpu.dma_semaphore, #tpu.memory_space<semaphore_mem>>
        %dma_start3A = arith.constant 0 : i32
        %dma_start3A_15 = tpu.memref_slice %arg3[%scan3A_6, %dma_start3A] : memref<26x16384xi32, #tpu.memory_space<hbm>> -> memref<1x8192xi32, #tpu.memory_space<hbm>>
        %dma_start3A_16 = tpu.memref_squeeze %dma_start3A_15 : memref<1x8192xi32, #tpu.memory_space<hbm>> -> memref<8192xi32, #tpu.memory_space<hbm>>
        %dma_start3A_17 = arith.constant 0 : i32
        %dma_start3A_18 = tpu.memref_slice %arg3[%scan3A_6, %dma_start3A_17] : memref<26x16384xi32, #tpu.memory_space<hbm>> -> memref<1x8192xi32, #tpu.memory_space<hbm>>
        %dma_start3A_19 = tpu.memref_squeeze %dma_start3A_18 : memref<1x8192xi32, #tpu.memory_space<hbm>> -> memref<8192xi32, #tpu.memory_space<hbm>>
        tpu.enqueue_dma source(%dma_start3A_19 : memref<8192xi32, #tpu.memory_space<hbm>>) target(%arg6 : memref<8192xi32, #tpu.memory_space<vmem>>) target_semaphore(%run_scoped3A : memref<!tpu.dma_semaphore, #tpu.memory_space<semaphore_mem>>)
        %dma_wait3A = arith.constant 0 : i32
        %dma_wait3A_20 = tpu.memref_slice %arg3[%scan3A_6, %dma_wait3A] : memref<26x16384xi32, #tpu.memory_space<hbm>> -> memref<1x8192xi32, #tpu.memory_space<hbm>>
        %dma_wait3A_21 = tpu.memref_squeeze %dma_wait3A_20 : memref<1x8192xi32, #tpu.memory_space<hbm>> -> memref<8192xi32, #tpu.memory_space<hbm>>
        %dma_wait3A_22 = arith.constant 0 : i32
        %dma_wait3A_23 = tpu.memref_slice %arg3[%scan3A_6, %dma_wait3A_22] : memref<26x16384xi32, #tpu.memory_space<hbm>> -> memref<1x8192xi32, #tpu.memory_space<hbm>>
        %dma_wait3A_24 = tpu.memref_squeeze %dma_wait3A_23 : memref<1x8192xi32, #tpu.memory_space<hbm>> -> memref<8192xi32, #tpu.memory_space<hbm>>
        tpu.wait_dma2 semaphore(%run_scoped3A : memref<!tpu.dma_semaphore, #tpu.memory_space<semaphore_mem>>) src(%dma_wait3A_24 : memref<8192xi32, #tpu.memory_space<hbm>>) dst(%arg6 : memref<8192xi32, #tpu.memory_space<vmem>>)
        tpu.yield
      }) : () -> ()
      %parallel_loop3A = arith.constant 0 : i32
      %parallel_loop3A_10 = arith.constant 8192 : i32
      %parallel_loop3A_11 = arith.constant 16 : i32
      scf.for %parallel_loop3A_15 = %parallel_loop3A to %parallel_loop3A_10 step %parallel_loop3A_11  : i32 {
        %parallel_loop3A_16 = arith.index_cast %parallel_loop3A_15 : i32 to index
        %parallel_loop3A_17 = tpu.vector_load %arg6[%parallel_loop3A_16] {strides = array<i32>} : memref<8192xi32, #tpu.memory_space<vmem>>, vector<16xi32>,
        %parallel_loop3A_18 = tpu.vector_load_idx %arg5[%parallel_loop3A_17] : memref<100000xf32, #tpu.memory_space<vmem>>[vector<16xi32>], vector<16xf32>,
        %parallel_loop3A_19 = arith.constant 0 : i32
        %parallel_loop3A_20 = arith.addi %parallel_loop3A_19, %parallel_loop3A_15 : i32
        %parallel_loop3A_21 = arith.index_cast %parallel_loop3A_20 : i32 to index
        %parallel_loop3A_22 = tpu.vector_load %arg7[%parallel_loop3A_21] {strides = array<i32>} : memref<16384xf32, #tpu.memory_space<vmem>>, vector<16xf32>,
        tpu.vector_store %arg7[%parallel_loop3A_21], %parallel_loop3A_18 {strides = array<i32>} : memref<16384xf32, #tpu.memory_space<vmem>>, vector<16xf32>,
      } {sc.loop_unroll_factor = 8 : i64, sc.parallel_access}
      "tpu.region"() ({
        %run_scoped3A = tpu.sem_alloc : memref<!tpu.dma_semaphore, #tpu.memory_space<semaphore_mem>>
        %dma_start3A = arith.constant 8192 : i32
        %dma_start3A_15 = tpu.memref_slice %arg3[%scan3A_6, %dma_start3A] : memref<26x16384xi32, #tpu.memory_space<hbm>> -> memref<1x8192xi32, #tpu.memory_space<hbm>>
        %dma_start3A_16 = tpu.memref_squeeze %dma_start3A_15 : memref<1x8192xi32, #tpu.memory_space<hbm>> -> memref<8192xi32, #tpu.memory_space<hbm>>
        %dma_start3A_17 = arith.constant 8192 : i32
        %dma_start3A_18 = tpu.memref_slice %arg3[%scan3A_6, %dma_start3A_17] : memref<26x16384xi32, #tpu.memory_space<hbm>> -> memref<1x8192xi32, #tpu.memory_space<hbm>>
        %dma_start3A_19 = tpu.memref_squeeze %dma_start3A_18 : memref<1x8192xi32, #tpu.memory_space<hbm>> -> memref<8192xi32, #tpu.memory_space<hbm>>
        tpu.enqueue_dma source(%dma_start3A_19 : memref<8192xi32, #tpu.memory_space<hbm>>) target(%arg6 : memref<8192xi32, #tpu.memory_space<vmem>>) target_semaphore(%run_scoped3A : memref<!tpu.dma_semaphore, #tpu.memory_space<semaphore_mem>>)
        %dma_wait3A = arith.constant 8192 : i32
        %dma_wait3A_20 = tpu.memref_slice %arg3[%scan3A_6, %dma_wait3A] : memref<26x16384xi32, #tpu.memory_space<hbm>> -> memref<1x8192xi32, #tpu.memory_space<hbm>>
        %dma_wait3A_21 = tpu.memref_squeeze %dma_wait3A_20 : memref<1x8192xi32, #tpu.memory_space<hbm>> -> memref<8192xi32, #tpu.memory_space<hbm>>
        %dma_wait3A_22 = arith.constant 8192 : i32
        %dma_wait3A_23 = tpu.memref_slice %arg3[%scan3A_6, %dma_wait3A_22] : memref<26x16384xi32, #tpu.memory_space<hbm>> -> memref<1x8192xi32, #tpu.memory_space<hbm>>
        %dma_wait3A_24 = tpu.memref_squeeze %dma_wait3A_23 : memref<1x8192xi32, #tpu.memory_space<hbm>> -> memref<8192xi32, #tpu.memory_space<hbm>>
        tpu.wait_dma2 semaphore(%run_scoped3A : memref<!tpu.dma_semaphore, #tpu.memory_space<semaphore_mem>>) src(%dma_wait3A_24 : memref<8192xi32, #tpu.memory_space<hbm>>) dst(%arg6 : memref<8192xi32, #tpu.memory_space<vmem>>)
        tpu.yield
      }) : () -> ()
      %parallel_loop3A_12 = arith.constant 0 : i32
      %parallel_loop3A_13 = arith.constant 8192 : i32
      %parallel_loop3A_14 = arith.constant 16 : i32
      scf.for %parallel_loop3A_15 = %parallel_loop3A_12 to %parallel_loop3A_13 step %parallel_loop3A_14  : i32 {
        %parallel_loop3A_16 = arith.index_cast %parallel_loop3A_15 : i32 to index
        %parallel_loop3A_17 = tpu.vector_load %arg6[%parallel_loop3A_16] {strides = array<i32>} : memref<8192xi32, #tpu.memory_space<vmem>>, vector<16xi32>,
        %parallel_loop3A_18 = tpu.vector_load_idx %arg5[%parallel_loop3A_17] : memref<100000xf32, #tpu.memory_space<vmem>>[vector<16xi32>], vector<16xf32>,
        %parallel_loop3A_19 = arith.constant 8192 : i32
        %parallel_loop3A_20 = arith.addi %parallel_loop3A_19, %parallel_loop3A_15 : i32
        %parallel_loop3A_21 = arith.index_cast %parallel_loop3A_20 : i32 to index
        %parallel_loop3A_22 = tpu.vector_load %arg7[%parallel_loop3A_21] {strides = array<i32>} : memref<16384xf32, #tpu.memory_space<vmem>>, vector<16xf32>,
        tpu.vector_store %arg7[%parallel_loop3A_21], %parallel_loop3A_18 {strides = array<i32>} : memref<16384xf32, #tpu.memory_space<vmem>>, vector<16xf32>,
      } {sc.loop_unroll_factor = 8 : i64, sc.parallel_access}
      "tpu.region"() ({
        %run_scoped3A = tpu.sem_alloc : memref<!tpu.dma_semaphore, #tpu.memory_space<semaphore_mem>>
        %dma_start3A = arith.constant 0 : i32
        %dma_start3A_15 = tpu.memref_slice %arg4[%add3A_9, %dma_start3A] : memref<832x16384xf32, #tpu.memory_space<hbm>> -> memref<1x16384xf32, #tpu.memory_space<hbm>>
        %dma_start3A_16 = tpu.memref_squeeze %dma_start3A_15 : memref<1x16384xf32, #tpu.memory_space<hbm>> -> memref<16384xf32, #tpu.memory_space<hbm>>
        %dma_start3A_17 = arith.constant 0 : i32
        %dma_start3A_18 = tpu.memref_slice %arg4[%add3A_9, %dma_start3A_17] : memref<832x16384xf32, #tpu.memory_space<hbm>> -> memref<1x16384xf32, #tpu.memory_space<hbm>>
        %dma_start3A_19 = tpu.memref_squeeze %dma_start3A_18 : memref<1x16384xf32, #tpu.memory_space<hbm>> -> memref<16384xf32, #tpu.memory_space<hbm>>
        tpu.enqueue_dma source(%arg7 : memref<16384xf32, #tpu.memory_space<vmem>>) target(%dma_start3A_19 : memref<16384xf32, #tpu.memory_space<hbm>>) target_semaphore(%run_scoped3A : memref<!tpu.dma_semaphore, #tpu.memory_space<semaphore_mem>>)
        %dma_wait3A = arith.constant 0 : i32
        %dma_wait3A_20 = tpu.memref_slice %arg4[%add3A_9, %dma_wait3A] : memref<832x16384xf32, #tpu.memory_space<hbm>> -> memref<1x16384xf32, #tpu.memory_space<hbm>>
        %dma_wait3A_21 = tpu.memref_squeeze %dma_wait3A_20 : memref<1x16384xf32, #tpu.memory_space<hbm>> -> memref<16384xf32, #tpu.memory_space<hbm>>
        %dma_wait3A_22 = arith.constant 0 : i32
        %dma_wait3A_23 = tpu.memref_slice %arg4[%add3A_9, %dma_wait3A_22] : memref<832x16384xf32, #tpu.memory_space<hbm>> -> memref<1x16384xf32, #tpu.memory_space<hbm>>
        %dma_wait3A_24 = tpu.memref_squeeze %dma_wait3A_23 : memref<1x16384xf32, #tpu.memory_space<hbm>> -> memref<16384xf32, #tpu.memory_space<hbm>>
        tpu.wait_dma2 semaphore(%run_scoped3A : memref<!tpu.dma_semaphore, #tpu.memory_space<semaphore_mem>>) src(%arg7 : memref<16384xf32, #tpu.memory_space<vmem>>) dst(%dma_wait3A_24 : memref<16384xf32, #tpu.memory_space<hbm>>)
        tpu.yield
      }) : () -> ()
    }
    %scan3A_5 = arith.constant 26 : i32
    return
  }
}

module attributes {stable_mosaic.version = 14 : i64} {
  func.func @_mlp_body(%arg0: i32, %arg1: memref<832x2048xf32, #tpu.memory_space<vmem>>, %arg2: memref<2048x16xf32, #tpu.memory_space<vmem>>, %arg3: memref<16x32xf32, #tpu.memory_space<vmem>>, %arg4: memref<1x32xf32, #tpu.memory_space<vmem>>, %arg5: memref<832x64xf32, #tpu.memory_space<vmem>>, %arg6: memref<32x64xf32, #tpu.memory_space<vmem>>, %arg7: memref<1x64xf32, #tpu.memory_space<vmem>>, %arg8: memref<2048x64xf32, #tpu.memory_space<vmem>>) attributes {dimension_semantics = [#tpu.dimension_semantics<arbitrary>], iteration_bounds = array<i64: 8>, scalar_prefetch = 0 : i64, scratch_operands = 0 : i64, tpu.core_type = #tpu.core_type<tc>, window_params = [{transform_indices = @transform_0, window_bounds = array<i64: 832, 2048>}, {transform_indices = @transform_1, window_bounds = array<i64: 2048, 16>}, {pipeline_mode = #tpu.pipeline_mode<synchronous>, transform_indices = @transform_2, window_bounds = array<i64: 16, 32>}, {pipeline_mode = #tpu.pipeline_mode<synchronous>, transform_indices = @transform_3, window_bounds = array<i64: 1, 32>}, {pipeline_mode = #tpu.pipeline_mode<synchronous>, transform_indices = @transform_4, window_bounds = array<i64: 832, 64>}, {pipeline_mode = #tpu.pipeline_mode<synchronous>, transform_indices = @transform_5, window_bounds = array<i64: 32, 64>}, {pipeline_mode = #tpu.pipeline_mode<synchronous>, transform_indices = @transform_6, window_bounds = array<i64: 1, 64>}, {transform_indices = @transform_7, window_bounds = array<i64: 2048, 64>}]} {
    %get3A = arith.constant 0 : index
    %get3A_0 = arith.constant 0 : index
    %get3A_1 = vector.load %arg2[%get3A, %get3A_0] : memref<2048x16xf32, #tpu.memory_space<vmem>>, vector<2048x16xf32>
    %get3A_2 = arith.constant 0 : index
    %get3A_3 = arith.constant 0 : index
    %get3A_4 = vector.load %arg3[%get3A_2, %get3A_3] : memref<16x32xf32, #tpu.memory_space<vmem>>, vector<16x32xf32>
    %dot_general3A = arith.constant dense<0.000000e+00> : vector<2048x32xf32>
    %dot_general3A_5 = tpu.matmul %get3A_1, %get3A_4, %dot_general3A {dimension_numbers = #tpu.dot_dimension_numbers<[1], [0], [0], [1], [0, 0, 1, 1], [], []>, transpose_lhs_hint = false} : vector<2048x16xf32>, vector<16x32xf32>, vector<2048x32xf32> -> vector<2048x32xf32>
    %get3A_6 = arith.constant 0 : index
    %get3A_7 = arith.constant 0 : index
    %get3A_8 = vector.load %arg4[%get3A_6, %get3A_7] : memref<1x32xf32, #tpu.memory_space<vmem>>, vector<1x32xf32>
    %add3A = vector.broadcast %get3A_8 : vector<1x32xf32> to vector<2048x32xf32>
    %add3A_9 = arith.addf %dot_general3A_5, %add3A : vector<2048x32xf32>
    %max3A = arith.constant 0.000000e+00 : f32
    %max3A_10 = vector.broadcast %max3A : f32 to vector<2048x32xf32>
    %max3A_11 = arith.maximumf %add3A_9, %max3A_10 : vector<2048x32xf32>
    %get3A_12 = arith.constant 0 : index
    %get3A_13 = arith.constant 0 : index
    %get3A_14 = vector.load %arg1[%get3A_12, %get3A_13] : memref<832x2048xf32, #tpu.memory_space<vmem>>, vector<832x2048xf32>
    %get3A_15 = arith.constant 0 : index
    %get3A_16 = arith.constant 0 : index
    %get3A_17 = vector.load %arg5[%get3A_15, %get3A_16] : memref<832x64xf32, #tpu.memory_space<vmem>>, vector<832x64xf32>
    %dot_general3A_18 = arith.constant dense<0.000000e+00> : vector<2048x64xf32>
    %dot_general3A_19 = tpu.matmul %get3A_14, %get3A_17, %dot_general3A_18 {dimension_numbers = #tpu.dot_dimension_numbers<[0], [0], [1], [1], [0, 1, 1, 1], [], []>, transpose_lhs_hint = false} : vector<832x2048xf32>, vector<832x64xf32>, vector<2048x64xf32> -> vector<2048x64xf32>
    %get3A_20 = arith.constant 0 : index
    %get3A_21 = arith.constant 0 : index
    %get3A_22 = vector.load %arg6[%get3A_20, %get3A_21] : memref<32x64xf32, #tpu.memory_space<vmem>>, vector<32x64xf32>
    %dot_general3A_23 = arith.constant dense<0.000000e+00> : vector<2048x64xf32>
    %dot_general3A_24 = tpu.matmul %max3A_11, %get3A_22, %dot_general3A_23 {dimension_numbers = #tpu.dot_dimension_numbers<[1], [0], [0], [1], [0, 0, 1, 1], [], []>, transpose_lhs_hint = false} : vector<2048x32xf32>, vector<32x64xf32>, vector<2048x64xf32> -> vector<2048x64xf32>
    %add3A_25 = arith.addf %dot_general3A_19, %dot_general3A_24 : vector<2048x64xf32>
    %get3A_26 = arith.constant 0 : index
    %get3A_27 = arith.constant 0 : index
    %get3A_28 = vector.load %arg7[%get3A_26, %get3A_27] : memref<1x64xf32, #tpu.memory_space<vmem>>, vector<1x64xf32>
    %add3A_29 = vector.broadcast %get3A_28 : vector<1x64xf32> to vector<2048x64xf32>
    %add3A_30 = arith.addf %add3A_25, %add3A_29 : vector<2048x64xf32>
    %max3A_31 = arith.constant 0.000000e+00 : f32
    %max3A_32 = vector.broadcast %max3A_31 : f32 to vector<2048x64xf32>
    %max3A_33 = arith.maximumf %add3A_30, %max3A_32 : vector<2048x64xf32>
    %swap3A = arith.constant 0 : index
    %swap3A_34 = arith.constant 0 : index
    %swap3A_35 = vector.load %arg8[%swap3A, %swap3A_34] : memref<2048x64xf32, #tpu.memory_space<vmem>>, vector<2048x64xf32>
    tpu.vector_store %arg8[%swap3A, %swap3A_34], %max3A_33 {strides = array<i32>} : memref<2048x64xf32, #tpu.memory_space<vmem>>, vector<2048x64xf32>,
    return
  }
  func.func @transform_0(%arg0: i32) -> (i32, i32) {
    %c0_i32 = arith.constant 0 : i32
    %c0_i32_0 = arith.constant 0 : i32
    return %c0_i32, %arg0 : i32, i32
  }
  func.func @transform_1(%arg0: i32) -> (i32, i32) {
    %c0_i32 = arith.constant 0 : i32
    %c0_i32_0 = arith.constant 0 : i32
    return %arg0, %c0_i32 : i32, i32
  }
  func.func @transform_2(%arg0: i32) -> (i32, i32) {
    %c0_i32 = arith.constant 0 : i32
    %c0_i32_0 = arith.constant 0 : i32
    %c0_i32_1 = arith.constant 0 : i32
    return %c0_i32, %c0_i32_0 : i32, i32
  }
  func.func @transform_3(%arg0: i32) -> (i32, i32) {
    %c0_i32 = arith.constant 0 : i32
    %c0_i32_0 = arith.constant 0 : i32
    %c0_i32_1 = arith.constant 0 : i32
    return %c0_i32, %c0_i32_0 : i32, i32
  }
  func.func @transform_4(%arg0: i32) -> (i32, i32) {
    %c0_i32 = arith.constant 0 : i32
    %c0_i32_0 = arith.constant 0 : i32
    %c0_i32_1 = arith.constant 0 : i32
    return %c0_i32, %c0_i32_0 : i32, i32
  }
  func.func @transform_5(%arg0: i32) -> (i32, i32) {
    %c0_i32 = arith.constant 0 : i32
    %c0_i32_0 = arith.constant 0 : i32
    %c0_i32_1 = arith.constant 0 : i32
    return %c0_i32, %c0_i32_0 : i32, i32
  }
  func.func @transform_6(%arg0: i32) -> (i32, i32) {
    %c0_i32 = arith.constant 0 : i32
    %c0_i32_0 = arith.constant 0 : i32
    %c0_i32_1 = arith.constant 0 : i32
    return %c0_i32, %c0_i32_0 : i32, i32
  }
  func.func @transform_7(%arg0: i32) -> (i32, i32) {
    %c0_i32 = arith.constant 0 : i32
    %c0_i32_0 = arith.constant 0 : i32
    return %arg0, %c0_i32 : i32, i32
  }
}

</mosaic_0001>

<sc_bundles>
// kernel: kernel.4.cloned.1.call-start
scs
__scs_entry_jumppad:
0x0: {  	(pc) =	sbr.rel $0x88, $3  }
0x1: {  	(tag) =	ssettag $0x0;
	lr =	simm.s32 $0x1  }
0x2: {  	[smem:$0x3F9A] =	sst lr;
	_ =	strace $0xD0000000  }
0x3: {  	_ = 	snop  }
0x4: {  	_ = 	snop  }
0x5: {  	_ = 	snop  }
0x6: {  	_ = 	snop  }
0x7: {  	_ = 	snop  }
__scs_overlays_trampoline_lowered:
0x8: {  	[smem:$0x3FA9] =	sst s0  }
0x9: {  	[smem:$0x3FAA] =	sst s1  }
0xa: {  	[smem:$0x3FAB] =	sst s2  }
0xb: {  	[smem:$0x3FAC] =	sst s3  }
0xc: {  	[smem:$0x3FAD] =	sst s4  }
0xd: {  	[smem:$0x3FAE] =	sst s5  }
0xe: {  	[smem:$0x3FAF] =	sst s6  }
0xf: {  	[smem:$0x3FB0] =	sst s7  }
0x10: {  	[smem:$0x3FB1] =	sst s8  }
0x11: {  	[smem:$0x3FB2] =	sst s9;
	s0 =	simm.s32 @!p0 $0x0  }
0x12: {  	s1 =	sld [smem:$0x3F98];
	s0 =	simm.s32 @p0 $0x1  }
0x13: {  	[smem:$0x3FB3] =	sst s0;
	s0 =	simm.s32 @!p1 $0x0  }
0x14: {  	s2 =	sld [smem:$0x3F97];
	s0 =	simm.s32 @p1 $0x1  }
0x15: {  	[smem:$0x3FB4] =	sst s0;
	s0 =	simm.s32 @!p2 $0x0  }
0x16: {  	s3 =	sld [smem:$0x3FDB];
	s0 =	simm.s32 @p2 $0x1  }
0x17: {  	s4 =	simm.s32 $0x1BF5;
	[smem:$0x3FB6] =	sst s0  }
0x18: {  	s0 =	sld [smem:$0x3F99];
	_ =	swait.ge [sflag:s4], $0x0  }
0x19: {  	s7 =	sld [smem:$0x3F9A]  }
0x1a: {  	s8 =	sadd.s32 $0xFFFFE003, lr  }
0x1b: {  	s9 =	sadd.s32 $0xFFFFFEF7, lr;
	s5 =	simm.s32 $0xFFFFFFFF;
	p2 =	slt.u32 s8, $0xFFFFF086  }
0x1c: {  	p1 =	slt.u32 s9, $0xF7A;
	s5 =	simm.s32 @!p2 $0x0  }
0x1d: {  	s5 =	simm.s32 @p1 $0x1;
	p0 =	seq.s32 s7, s2  }
0x1e: {  	s7 =	smul.u32 @!p0 $0xF7A, s2;
	p2 =	seq.s32 @!p0 s5, $0x0  }
0x1f: {  	s9 =	smul.u32 $0xF7A, s1;
	s8 =	simm.s32 @!p0 $0x1BF5;
	p2 =	por !p2, p0  }
0x20: {  	[sflag:s8] =	ssyncset.s32 @!p0 $0xFFFFF086;
	s6 =	sadd.s32 @!p0 s3, s7;
	s7 =	simm.s32 @!p0 $0x108  }
0x21: {  	s3 =	sadd.s32 s3, s9;
	s6 =	sadd.s32 @!p0 $0x88, s6;
	s7 =	simm.s32 @p2 $0x1082  }
0x22: {  	[simem:s7], [sflag:s8] =	dma.local @!p0 [hbm:s6], $0xF7A  }
0x23: {  	s9 =	sor.u32 $0xD0000000, s2;
	s6 =	simm.s32 $0x108;
	_ =	swait.ge @!p0 [sflag:s8], $0x0  }
0x24: {  	s3 =	sadd.s32 $0x88, s3;
	s6 =	simm.s32 @!p1 $0x1082;
	[sflag:s4] =	ssyncset.s32 $0xFFFFF086  }
0x25: {  	[simem:s6], [sflag:s4] =	dma.local [hbm:s3], $0xF7A  }
0x26: {  	[smem:$0x3F9A] =	sst s1;
	(tag) =	ssettag s2;
	_ =	strace s9  }
0x27: {  	s1 =	sld [smem:$0x3FAA]  }
0x28: {  	s2 =	sld [smem:$0x3FAB]  }
0x29: {  	s4 =	sld [smem:$0x3FAD]  }
0x2a: {  	p0 =	seq.s32 s5, $0x0;
	s5 =	sld [smem:$0x3FAE]  }
0x2b: {  	s6 =	sld [smem:$0x3FAF]  }
0x2c: {  	s7 =	sld [smem:$0x3FB0]  }
0x2d: {  	s3 =	simm.s32 $0x108;
	s8 =	sld [smem:$0x3FB1]  }
0x2e: {  	s3 =	simm.s32 @!p0 $0x1082;
	s9 =	sld [smem:$0x3FB2]  }
0x2f: {  	lr =	sadd.s32 s0, s3;
	s0 =	sld [smem:$0x3FA9]  }
0x30: {  	s3 =	sld [smem:$0x3FAC]  }
0x31: {  	[smem:$0x3FB5] =	sst s10  }
0x32: {  	s10 =	sld [smem:$0x3FB3];
	_ =	sdelay $0x3  }
0x33: {  	p0 =	seq.s32 s10, $0x1;
	s10 =	sld [smem:$0x3FB5];
	_ =	sdelay $0x3  }
0x34: {  	[smem:$0x3FB5] =	sst s10  }
0x35: {  	s10 =	sld [smem:$0x3FB4];
	_ =	sdelay $0x3  }
0x36: {  	p1 =	seq.s32 s10, $0x1;
	s10 =	sld [smem:$0x3FB5];
	_ =	sdelay $0x3  }
0x37: {  	[smem:$0x3FB5] =	sst s10  }
0x38: {  	s10 =	sld [smem:$0x3FB6]  }
0x39: {  	_ = 	snop;
	(pc) =	sbr.ind lr, $3  }
0x3a: {  	_ = 	snop  }
0x3b: {  	_ = 	snop  }
0x3c: {  	p2 =	seq.s32 s10, $0x1;
	s10 =	sld [smem:$0x3FB5]  }
0x3d: {  	_ =	shalt  }
0x3e: {  	_ =	shalt  }
0x3f: {  	_ =	shalt  }
0x40: {  	_ =	shalt  }
0x41: {  	_ =	shalt  }
0x42: {  	_ =	shalt  }
0x43: {  	_ =	shalt  }
0x44: {  	_ =	shalt  }
0x45: {  	_ =	shalt  }
0x46: {  	_ =	shalt  }
0x47: {  	_ =	shalt  }
0x48: {  	_ =	shalt  }
0x49: {  	_ =	shalt  }
0x4a: {  	_ =	shalt  }
0x4b: {  	_ =	shalt  }
0x4c: {  	_ =	shalt  }
0x4d: {  	_ =	shalt  }
0x4e: {  	_ =	shalt  }
0x4f: {  	_ =	shalt  }
0x50: {  	_ =	shalt  }
0x51: {  	_ =	shalt  }
0x52: {  	_ =	shalt  }
0x53: {  	_ =	shalt  }
0x54: {  	_ =	shalt  }
0x55: {  	_ =	shalt  }
0x56: {  	_ =	shalt  }
0x57: {  	_ =	shalt  }
0x58: {  	_ =	shalt  }
0x59: {  	_ =	shalt  }
0x5a: {  	_ =	shalt  }
0x5b: {  	_ =	shalt  }
0x5c: {  	_ =	shalt  }
0x5d: {  	_ =	shalt  }
0x5e: {  	_ =	shalt  }
0x5f: {  	_ =	shalt  }
0x60: {  	_ =	shalt  }
0x61: {  	_ =	shalt  }
0x62: {  	_ =	shalt  }
0x63: {  	_ =	shalt  }
0x64: {  	_ =	shalt  }
0x65: {  	_ =	shalt  }
0x66: {  	_ =	shalt  }
0x67: {  	_ =	shalt  }
0x68: {  	_ =	shalt  }
0x69: {  	_ =	shalt  }
0x6a: {  	_ =	shalt  }
0x6b: {  	_ =	shalt  }
0x6c: {  	_ =	shalt  }
0x6d: {  	_ =	shalt  }
0x6e: {  	_ =	shalt  }
0x6f: {  	_ =	shalt  }
0x70: {  	_ =	shalt  }
0x71: {  	_ =	shalt  }
0x72: {  	_ =	shalt  }
0x73: {  	_ =	shalt  }
0x74: {  	_ =	shalt  }
0x75: {  	_ =	shalt  }
0x76: {  	_ =	shalt  }
0x77: {  	_ =	shalt  }
0x78: {  	_ =	shalt  }
0x79: {  	_ =	shalt  }
0x7a: {  	_ =	shalt  }
0x7b: {  	_ =	shalt  }
0x7c: {  	_ =	shalt  }
0x7d: {  	_ =	shalt  }
0x7e: {  	_ =	shalt  }
0x7f: {  	_ =	shalt  }
0x80: {  	_ =	shalt  }
0x81: {  	_ =	shalt  }
0x82: {  	_ =	shalt  }
0x83: {  	_ =	shalt  }
0x84: {  	_ =	shalt  }
0x85: {  	_ =	shalt  }
0x86: {  	_ =	shalt  }
0x87: {  	_ =	shalt  }
.Lfunc_end0:
.L_simem_size_0:
called_computation_lowered:
.L_overlay_start_0:
0x88: {  	s2 =	sld [smem:$0x3FD9]  }
0x89: {  	s3 =	sld [smem:$0x3FFE];
	_ =	sdelay $0x1  }
0x8a: {  	s1 =	srdreg.scid  }
0x8b: {  	s0 =	sand.u32 $0x1, s1  }
0x8c: {  	s17 =	sshll.u32 s0, $0xA;
	s2 =	sadd.s32 s3, s2  }
0x8d: {  	s2 =	sadd.s32 s2, s17  }
0x8e: {  	[smem:$0x3FC1] =	sst s2  }
0x8f: {  	_ = 	snop  }
0x90: {  	s2 =	sld [smem:$0x3FC9]  }
0x91: {  	s18 =	sld [smem:$0x3FC7];
	(tm) =	ssettm $0x1  }
0x92: {  	s4 =	sld [smem:$0x3FFB];
	_ =	sdelay $0x3  }
0x93: {  	_ =	strace s4  }
0x94: {  	s4 =	sld [smem:$0x3FFC];
	_ =	sdelay $0x3  }
0x95: {  	_ =	strace s4  }
0x96: {  	s4 =	sld [smem:$0x3FFD];
	_ =	sdelay $0x3  }
0x97: {  	_ =	strace s4  }
0x98: {  	_ =	strace $0x8FFFFFFF  }
0x99: {  	s19 =	sld [smem:$0x3FDB];
	_ =	sdelay $0x1  }
0x9a: {  	s5 =	simm.s32 $_scs_section_size  }
0x9b: {  	s6 =	simm.s32 $_size__tile_overlayer_lowered;
	s7 =	simm.s32 $_tile_overlayer_lowered  }
0x9c: {  	s22 =	simm.s32 $0x1BFF;
	s21 =	sshll.u32 s7, $0x1;
	s4 =	sadd.s32 s5, s19  }
0x9d: {  	s8 =	simm.s32 $0x0;
	s20 =	sshll.u32 s6, $0x1;
	s6 =	sadd.s32 s21, s4  }
0x9e: {  	[timem:s8], [sflag:s22] =	dma.local [hbm:s6], s20  }
0x9f: {  	_ =	swait.ge [sflag:s22], s20  }
0xa0: {  	s5 =	ssub.s32 $0x0, s20;
	[sflag:s22] =	ssyncset.done $0x0  }
0xa1: {  	[sflag:s22] =	ssyncadd.s32 s5;
	_ =	sdelay $0x1  }
0xa2: {  	s23 =	simm.s32 $0x1B8B  }
0xa3: {  	_ =	swait.ge [sflag:s23], $0x1  }
0xa4: {  	[sflag:s23] =	ssyncset.done $0x0  }
0xa5: {  	s25 =	simm.s32 $0x1B8E;
	s24 =	sld [smem:$0x3FFE];
	[sflag:s23] =	ssyncadd.s32 $0xFFFFFFFF  }
0xa6: {  	s26 =	simm.s32 $execute0_lowered;
	[smem:$0x3FD2] =	sst s25  }
0xa7: {  	s6 =	sshll.u32 s26, $0x1;
	_ =	strace $0x80000046;
	[dreg:$0x1] =	wrdreg $0xFFFFFFFF  }
0xa8: {  	s28 =	simm.s32 $_size_execute0_lowered;
	s4 =	sadd.s32 s4, s6;
	[dreg:$0x0] =	wrdreg $0x0  }
0xa9: {  	s6 =	sshll.u32 s28, $0x1;
	[dreg:$0x2] =	wrdreg s4  }
0xaa: {  	[dreg:$0x3] =	wrdreg s6  }
0xab: {  	[dreg:$0x4] =	wrdreg $0xC0  }
0xac: {  	_ =	task [dreg:s8], $0x5FFFF  }
0xad: {  	[dreg:$0x1] =	wrdreg $0xFFFFFFFF  }
0xae: {  	[dreg:$0x0] =	wrdreg $0x60  }
0xaf: {  	[dreg:$0x2] =	wrdreg s18  }
0xb0: {  	[dreg:$0x3] =	wrdreg s2  }
0xb1: {  	[dreg:$0x4] =	wrdreg s24  }
0xb2: {  	[dreg:$0x5] =	wrdreg $0x9  }
0xb3: {  	_ =	task.clear_ibuf [dreg:s8], $0x6FFFF;
	_ =	strace $0x90000046  }
0xb4: {  	s29 =	simm.s32 $0x9;
	_ =	strace $0x80000048  }
0xb5: {  	_ =	swait.ge [sflag:s29], $0x1  }
0xb6: {  	[sflag:s29] =	ssyncadd.s32 $0xFFFFFFFF  }
0xb7: {  	_ =	strace $0x90000048  }
0xb8: {  	_ =	sfence  }
0xb9: {  	s30 =	sld [smem:$0x0];
	_ =	sdelay $0x2  }
0xba: {  	s31 =	sshll.u32 s1, $0xD;
	s1 =	sshrl.u32 s1, $0x2  }
0xbb: {  	s3 =	sand.u32 $0x4000, s31;
	s1 =	sadd.s32 s1, s30  }
0xbc: {  	s0 =	sor.u32 s3, s0;
	s1 =	sshll.u32 s1, $0x11  }
0xbd: {  	s0 =	sor.u32 s1, s0  }
0xbe: {  	s0 =	sadd.s32 $0x8F2B, s0  }
0xbf: {  	[sflag:s0] =	ssyncadd.remote.s32 $0x1  }
0xc0: {  	_ =	sfence.sel $0xFFFF  }
0xc1: {  	[dreg:$0x0] =	wrdreg $0xFFFFFFFF;
	(pc) =	sbr.abs _section_cstart, $3  }
0xc2: {  	[dreg:$0x1] =	wrdreg $0xFFFFFFFF  }
0xc3: {  	_ =	task.clear_ibuf [dreg:s8], $0x2FFFF;
	_ =	strace $0x9FFFFFFF  }
0xc4: {  	(tm) =	ssettm $0x7FFFFFFF  }
0xc5: {  	_ =	shalt  }
tec
execute0_lowered:
.L_overlay_start_1:
0x0: {  	(tag) =	ssettag $0x1  }
0x1: {  	s1 =	rddreg [dreg:$0x0]  }
0x2: {  	s3 =	rddreg [dreg:$0x1]  }
0x3: {  	s5 =	rddreg [dreg:$0x2]  }
0x4: {  	s0 =	rddreg [dreg:$0x3];
	s4 =	simm.s32 $0x0  }
0x5: {  	s2 =	stileid.u32;
	s7 =	srdreg.scid;
	s12 =	simm.s32 $0x18700  }
0x6: {  	s13 =	simm.s32 $0x1A700;
	s14 =	simm.s32 $0x0;
	[smem:$0x7FF] =	sst s4  }
0x7: {  	s6 =	sshll.u32 s2, $0xC;
	s28 =	sand.u32 $0x1, s7;
	s29 =	sshll.u32 s2, $0x1  }
0x8: {  	s30 =	sshrl.u32 s2, $0x2;
	_ =	strace $0x80000047;
	s6 =	sand.u32 $0xC000, s6  }
0x9: {  	s8 =	ssub.s32 $0x2, s28;
	s6 =	sadd.s32 s6, s5;
	s5 =	sor.u32 s28, s29  }
0xa: {  	s7 =	smul.u32 $0xC3800, s30;
	s10 =	sshrl.u32 s8, $0x1;
	s9 =	sshll.u32 s5, $0x7  }
0xb: {  	s5 =	sshll.u32 s5, $0x4;
	s8 =	ssub.s32 s8, s10;
	s10 =	simm.s32 $0x400  }
0xc: {  	s9 =	sand.u32 $0x380, s9;
	s11 =	sand.u32 $0x70, s5;
	s8 =	smax.u32 s8, $0x1  }
0xd: {  	s5 =	sor.u32 s9, s7;
	s31 =	sadd.s32 s11, s6;
	s6 =	sadd.s32 $0x2000, s3  }
0xe: {  	s9 =	simm.s32 $0x80;
	s11 =	simm.s32 $0x1;
	s7 =	sadd.s32 $0xE00, s31  }
.LBB2_1:
0xf: {  	s15 =	simm.s32 $0x0  }
.LBB2_2:
0x10: {  	s16 =	smul.u32 $0x30E000, s15;
	_ =	sdelay $0x1  }
0x11: {  	s16 =	sadd.s32 s5, s16  }
0x12: {  	s16 =	sshrl.u32 s16, $0x3  }
0x13: {  	s30 =	sshll.u32 s15, $0xB;
	s17 =	sshll.u32 s15, $0x4;
	s16 =	sadd.s32 s1, s16  }
0x14: {  	[tilespmem:s4], [sflag:$0x1] =	stream.strided.gather [hbm4b:s16+s9], $0x18700, s10, s9, $0x38;
	[tilespmem:$0x1E700] =	vst v63  }
0x15: {  	s17 =	sand.u32 $0x70, s17;
	s16 =	sand.u32 $0xC000, s30;
	_ =	swait.ge [sflag:s11], $0x18700  }
0x16: {  	s16 =	sor.u32 s17, s16;
	[sflag:s11] =	ssyncset.done $0x0  }
0x17: {  	s17 =	sadd.s32 s3, s16;
	[sflag:s11] =	ssyncadd.s32 $0xFFFE7900  }
0x18: {  	[tilespmem:s12], [sflag:$0x1] =	stream.strided.gather [hbm4b:s17+s9], $0x2000, s10, s9, $0x38;
	[tilespmem:$0x1E700] =	vst v63  }
0x19: {  	_ =	swait.ge [sflag:s11], $0x2000  }
0x1a: {  	[sflag:s11] =	ssyncset.done $0x0  }
0x1b: {  	s31 =	simm.s32 $0x18740;
	[sflag:s11] =	ssyncadd.s32 $0xFFFFE000  }
0x1c: {  	v0 =	vld [tilespmem:s31+$0x30]  }
0x1d: {  	v1 =	vld [tilespmem:s31+$0xFFFFFFD0]  }
0x1e: {  	v2 =	vld [tilespmem:s31+$0xFFFFFFE0]  }
0x1f: {  	v3 =	vld [tilespmem:s31+$0xFFFFFFF0]  }
0x20: {  	v4 =	vld [tilespmem:s31+$0x0]  }
0x21: {  	v6 =	vld [tilespmem:s31+$0x10]  }
0x22: {  	v7 =	vld [tilespmem:s31+$0x20]  }
0x23: {  	v8 =	vld [tilespmem:s31+$0xFFFFFFC0]  }
0x24: {  	v9 =	vld.idx.msk [tilespmem:v0+s4+$0x0], $0xffff  }
0x25: {  	v10 =	vld.idx.msk [tilespmem:v1+s4+$0x0], $0xffff  }
0x26: {  	v5 =	vld.idx.msk [tilespmem:v2+s4+$0x0], $0xffff  }
0x27: {  	v3 =	vld.idx.msk [tilespmem:v3+s4+$0x0], $0xffff  }
0x28: {  	v0 =	vld.idx.msk [tilespmem:v4+s4+$0x0], $0xffff  }
0x29: {  	s17 =	simm.s32 $0x1A740;
	v1 =	vld.idx.msk [tilespmem:v6+s4+$0x0], $0xffff  }
0x2a: {  	v2 =	vld.idx.msk [tilespmem:v7+s4+$0x0], $0xffff;
	[tilespmem:s17+$0x30] =	vst v9  }
0x2b: {  	s18 =	simm.s32 $0x0;
	s19 =	simm.s32 $0x187C0;
	v4 =	vld.idx.msk [tilespmem:v8+s4+$0x0], $0xffff;
	[tilespmem:s17+$0xFFFFFFD0] =	vst v10  }
.LBB2_3:
0x2c: {  	v6 =	vld [tilespmem:s19+$0x30];
	s18 =	sadd.s32 $0x80, s18;
	[tilespmem:s17+$0xFFFFFFE0] =	vst v5  }
0x2d: {  	v5 =	vld [tilespmem:s19+$0xFFFFFFD0];
	p0 =	slt.u32 s18, $0x1F80;
	[tilespmem:s17+$0xFFFFFFF0] =	vst v3  }
0x2e: {  	v3 =	vld [tilespmem:s19+$0xFFFFFFE0];
	[tilespmem:s17+$0x0] =	vst v0  }
0x2f: {  	v0 =	vld [tilespmem:s19+$0xFFFFFFF0];
	[tilespmem:s17+$0x10] =	vst v1  }
0x30: {  	v1 =	vld [tilespmem:s19+$0x0];
	[tilespmem:s17+$0x20] =	vst v2  }
0x31: {  	v2 =	vld [tilespmem:s19+$0x10];
	[tilespmem:s17+$0xFFFFFFC0] =	vst v4  }
0x32: {  	v4 =	vld [tilespmem:s19+$0x20]  }
0x33: {  	v7 =	vld [tilespmem:s19+$0xFFFFFFC0]  }
0x34: {  	v6 =	vld.idx.msk [tilespmem:v6+s4+$0x0], $0xffff  }
0x35: {  	v8 =	vld.idx.msk [tilespmem:v5+s4+$0x0], $0xffff  }
0x36: {  	v5 =	vld.idx.msk [tilespmem:v3+s4+$0x0], $0xffff  }
.Ltmp0:
0x37: {  	v3 =	vld.idx.msk [tilespmem:v0+s4+$0x0], $0xffff;
	(pc) =	sbr.rel @p0 .LBB2_3-.Ltmp0, $4  }
0x38: {  	v0 =	vld.idx.msk [tilespmem:v1+s4+$0x0], $0xffff  }
0x39: {  	s17 =	sadd.s32 $0x80, s17;
	v1 =	vld.idx.msk [tilespmem:v2+s4+$0x0], $0xffff  }
0x3a: {  	v2 =	vld.idx.msk [tilespmem:v4+s4+$0x0], $0xffff;
	[tilespmem:s17+$0x30] =	vst v6  }
0x3b: {  	s19 =	sadd.s32 $0x80, s19;
	v4 =	vld.idx.msk [tilespmem:v7+s4+$0x0], $0xffff;
	[tilespmem:s17+$0xFFFFFFD0] =	vst v8  }
0x3c: {  	[tilespmem:s17+$0xFFFFFFE0] =	vst v5  }
0x3d: {  	[tilespmem:s17+$0xFFFFFFF0] =	vst v3  }
0x3e: {  	[tilespmem:s17+$0x0] =	vst v0  }
0x3f: {  	[tilespmem:s17+$0x10] =	vst v1  }
0x40: {  	[tilespmem:s17+$0x20] =	vst v2  }
0x41: {  	s16 =	sadd.s32 s16, s6;
	[tilespmem:s17+$0xFFFFFFC0] =	vst v4  }
0x42: {  	[tilespmem:s12], [sflag:$0x1] =	stream.strided.gather [hbm4b:s16+s9], $0x2000, s10, s9, $0x38;
	[tilespmem:$0x1E700] =	vst v63  }
0x43: {  	_ =	swait.ge [sflag:s11], $0x2000  }
0x44: {  	[sflag:s11] =	ssyncset.done $0x0  }
0x45: {  	s31 =	simm.s32 $0x18740;
	[sflag:s11] =	ssyncadd.s32 $0xFFFFE000  }
0x46: {  	v0 =	vld [tilespmem:s31+$0x30]  }
0x47: {  	v1 =	vld [tilespmem:s31+$0xFFFFFFD0]  }
0x48: {  	v2 =	vld [tilespmem:s31+$0xFFFFFFE0]  }
0x49: {  	v3 =	vld [tilespmem:s31+$0xFFFFFFF0]  }
0x4a: {  	v4 =	vld [tilespmem:s31+$0x0]  }
0x4b: {  	v6 =	vld [tilespmem:s31+$0x10]  }
0x4c: {  	v7 =	vld [tilespmem:s31+$0x20]  }
0x4d: {  	v8 =	vld [tilespmem:s31+$0xFFFFFFC0]  }
0x4e: {  	v9 =	vld.idx.msk [tilespmem:v0+s4+$0x0], $0xffff  }
0x4f: {  	v10 =	vld.idx.msk [tilespmem:v1+s4+$0x0], $0xffff  }
0x50: {  	v5 =	vld.idx.msk [tilespmem:v2+s4+$0x0], $0xffff  }
0x51: {  	v3 =	vld.idx.msk [tilespmem:v3+s4+$0x0], $0xffff  }
0x52: {  	v0 =	vld.idx.msk [tilespmem:v4+s4+$0x0], $0xffff  }
0x53: {  	s16 =	simm.s32 $0x1C770;
	v1 =	vld.idx.msk [tilespmem:v6+s4+$0x0], $0xffff  }
0x54: {  	v2 =	vld.idx.msk [tilespmem:v7+s4+$0x0], $0xffff;
	[tilespmem:s16+$0x0] =	vst v9  }
0x55: {  	s18 =	simm.s32 $0x187C0;
	s17 =	simm.s32 $0x0;
	v4 =	vld.idx.msk [tilespmem:v8+s4+$0x0], $0xffff;
	[tilespmem:s16+$0xFFFFFFA0] =	vst v10  }
.LBB2_5:
0x56: {  	v6 =	vld [tilespmem:s18+$0x30];
	s17 =	sadd.s32 $0x80, s17;
	[tilespmem:s16+$0xFFFFFFB0] =	vst v5  }
0x57: {  	v5 =	vld [tilespmem:s18+$0xFFFFFFD0];
	p0 =	slt.u32 s17, $0x1F80;
	[tilespmem:s16+$0xFFFFFFC0] =	vst v3  }
0x58: {  	v3 =	vld [tilespmem:s18+$0xFFFFFFE0];
	[tilespmem:s16+$0xFFFFFFD0] =	vst v0  }
0x59: {  	v0 =	vld [tilespmem:s18+$0xFFFFFFF0];
	[tilespmem:s16+$0xFFFFFFE0] =	vst v1  }
0x5a: {  	v1 =	vld [tilespmem:s18+$0x0];
	[tilespmem:s16+$0xFFFFFFF0] =	vst v2  }
0x5b: {  	v2 =	vld [tilespmem:s18+$0x10];
	[tilespmem:s16+$0xFFFFFF90] =	vst v4  }
0x5c: {  	v4 =	vld [tilespmem:s18+$0x20]  }
0x5d: {  	v7 =	vld [tilespmem:s18+$0xFFFFFFC0]  }
0x5e: {  	v6 =	vld.idx.msk [tilespmem:v6+s4+$0x0], $0xffff  }
0x5f: {  	v8 =	vld.idx.msk [tilespmem:v5+s4+$0x0], $0xffff  }
0x60: {  	v5 =	vld.idx.msk [tilespmem:v3+s4+$0x0], $0xffff  }
.Ltmp1:
0x61: {  	v3 =	vld.idx.msk [tilespmem:v0+s4+$0x0], $0xffff;
	(pc) =	sbr.rel @p0 .LBB2_5-.Ltmp1, $4  }
0x62: {  	v0 =	vld.idx.msk [tilespmem:v1+s4+$0x0], $0xffff  }
0x63: {  	s16 =	sadd.s32 $0x80, s16;
	v1 =	vld.idx.msk [tilespmem:v2+s4+$0x0], $0xffff  }
0x64: {  	v2 =	vld.idx.msk [tilespmem:v4+s4+$0x0], $0xffff;
	[tilespmem:s16+$0x0] =	vst v6  }
0x65: {  	s18 =	sadd.s32 $0x80, s18;
	v4 =	vld.idx.msk [tilespmem:v7+s4+$0x0], $0xffff;
	[tilespmem:s16+$0xFFFFFFA0] =	vst v8  }
0x66: {  	[tilespmem:s16+$0xFFFFFFB0] =	vst v5  }
0x67: {  	[tilespmem:s16+$0xFFFFFFC0] =	vst v3  }
0x68: {  	[tilespmem:s16+$0xFFFFFFD0] =	vst v0  }
0x69: {  	s17 =	sshll.u32 s15, $0x10;
	s15 =	sadd.s32 $0x1, s15;
	[tilespmem:s16+$0xFFFFFFE0] =	vst v1  }
0x6a: {  	p0 =	sne.s32 s15, $0x1A;
	[tilespmem:s16+$0xFFFFFFF0] =	vst v2  }
.Ltmp2:
0x6b: {  	s31 =	sadd.s32 s17, s7;
	[tilespmem:s16+$0xFFFFFF90] =	vst v4;
	(pc) =	sbr.rel @p0 .LBB2_2-.Ltmp2, $4  }
0x6c: {  	[hbm4b:s31+s9] =	stream.strided.scatter [tilespmem:s13], [sflag:$0x1], $0x4000, s10, s9, $0x38;
	[tilespmem:$0x1E700] =	vst v63  }
0x6d: {  	_ =	swait.ge [sflag:s11], $0x4000  }
0x6e: {  	[sflag:s11] =	ssyncset.done $0x0  }
0x6f: {  	[sflag:s11] =	ssyncadd.s32 $0xFFFFC000  }
0x70: {  	s14 =	sadd.s32 $0x1, s14  }
0x71: {  	p0 =	sne.s32 s14, s8  }
.Ltmp3:
0x72: {  	_ = 	snop;
	(pc) =	sbr.rel @p0 .LBB2_1-.Ltmp3, $1  }
0x73: {  	_ =	sdelay $0x3  }
0x74: {  	_ =	sfence.sel $0x180000  }
0x75: {  	[bflag:$0x0] =	sbarrier.arrive $0xFFFF  }
0x76: {  	p0 =	sne.s32 s2, $0x0;
	_ =	strace $0x90000047  }
0x77: {  	s0 =	sadd.s32 @!p0 $0x100000, s0;
	[bflag:$0x2] =	sbarrier.arrive $0xFFFF  }
0x78: {  	[sflag:s0] =	ssyncadd.tile.s32 @!p0 $0x1;
	_ =	shalt  }
.Lfunc_end2:
_tile_overlayer_lowered:
.L_overlay_start_2:
0x79: {  	(tag) =	ssettag $0x2  }
0x7a: {  	s0 =	rddreg [dreg:$0x0];
	s2 =	stileid.u32  }
0x7b: {  	s1 =	rddreg [dreg:$0x1];
	p0 =	sne.s32 s2, $0x0  }
0x7c: {  	s3 =	rddreg [dreg:$0x2];
	[bflag:$0x3] =	sbarrier.arrive $0xFFFF;
	s2 =	simm.s32 @!p0 $0x1C01  }
0x7d: {  	[timem:s3], [sflag:s2] =	dma.local @!p0 [hbm:s0], s1  }
0x7e: {  	s0 =	simm.s32 @!p0 $0x1  }
0x7f: {  	_ =	swait.ge @!p0 [sflag:s0], s1  }
0x80: {  	s1 =	ssub.s32 @!p0 $0x0, s1;
	[sflag:s0] =	ssyncset.done @!p0 $0x0  }
0x81: {  	[sflag:s0] =	ssyncadd.s32 @!p0 s1  }
0x82: {  	[bflag:$0x3] =	sbarrier.arrive $0xFFFF  }
0x83: {  	_ =	shalt  }

</sc_bundles>
